<compile_context>
chip_gen: v7x
topology: tpu7x:2x2x1
jax: 0.10.2.dev20260603
libtpu: 0.0.44.dev20260713+nightly
codegen_flags: <defaults>
</compile_context>

<pallas_src>
import jax
import jax.numpy as jnp
from jax import lax
from jax.experimental import pallas as pl
from jax.experimental.pallas import tpu as pltpu
from jax.experimental.pallas import tpu_sc as plsc

VOCAB = 8192
D = 8192
B, T = 16, 512
N_IDX = B * T
NC, NS = 2, 16
NW = NC * NS
B_PER_W = N_IDX // NW
CH = 4
NCHUNK = B_PER_W // CH
NBUF = 3
AHEAD = 2


def _gather_body(idx_hbm, table_hbm, out_hbm, idx_v, bufs, gsem, ssem):
    wid = lax.axis_index("s") * NC + lax.axis_index("c")
    base = wid * B_PER_W
    pltpu.sync_copy(idx_hbm.at[wid], idx_v)

    def gather_desc(g, b):
        return pltpu.make_async_copy(
            table_hbm.at[idx_v.at[g]], bufs.at[b], gsem.at[b]
        )

    def scatter_desc(g, b):
        return pltpu.make_async_copy(
            bufs.at[b], out_hbm.at[pl.ds(base + g * CH, CH)], ssem.at[b]
        )

    for g in range(AHEAD):
        gather_desc(g, g).start()

    @pl.loop(0, NCHUNK)
    def _chunk(g):
        b = lax.rem(g, NBUF)
        nb = lax.rem(g + AHEAD, NBUF)

        @pl.when(g + AHEAD < NCHUNK)
        def _issue_next():
            @pl.when(g >= NBUF - AHEAD)
            def _drain_prev_scatter():
                scatter_desc(g - (NBUF - AHEAD), nb).wait()

            gather_desc(g + AHEAD, nb).start()

        gather_desc(g, b).wait()
        scatter_desc(g, b).start()

    for g in range(NCHUNK - NBUF, NCHUNK):
        scatter_desc(g, g % NBUF).wait()


@jax.jit
def _gather(idx_w, table):
    mesh = plsc.VectorSubcoreMesh(
        core_axis_name="c", subcore_axis_name="s", num_cores=NC, num_subcores=NS
    )
    return pl.kernel(
        _gather_body,
        out_type=jax.ShapeDtypeStruct((N_IDX, D), jnp.float32),
        mesh=mesh,
        scratch_types=[
            pltpu.VMEM((NCHUNK, CH), jnp.int32),
            pltpu.VMEM((NBUF, CH, D), jnp.float32),
            pltpu.SemaphoreType.DMA((NBUF,)),
            pltpu.SemaphoreType.DMA((NBUF,)),
        ],
    )(idx_w, table)


def kernel(idx, table):
    idx_w = idx.reshape(NW, NCHUNK, CH).astype(jnp.int32)
    out = _gather(idx_w, table)
    return out.reshape(B, T, D)

# --- scband reference (transcript-rebuilt; emitter-appended) ---
"""Pipeline reference for scband-bingram-languange-model-56633438765139 (READ-ONLY COPY).

The authoritative reference and input builder live on the scoring server;
editing this copy changes nothing except your own understanding.
"""

import jax, jax.numpy as jnp
import numpy as np

VOCAB = 8192
B, T = 16, 512

def setup_inputs(seed: int = 0) -> dict:
    key = jax.random.key(seed)
    k1, k2 = jax.random.split(key)
    idx = jax.random.randint(k1, (B, T), 0, VOCAB, dtype=jnp.int64) if jax.config.jax_enable_x64 else jax.random.randint(k1, (B, T), 0, VOCAB, dtype=jnp.int32)
    table = jax.random.normal(k2, (VOCAB, VOCAB), dtype=jnp.float32)
    # nn.Embedding(padding_idx=0) zero-initializes row 0
    table = table.at[0].set(0.0)
    return {"idx": idx, "table": table}

def reference(idx, table):
    # forward with targets=None: logits = embedding lookup, loss = None
    logits = jnp.take(table, idx, axis=0)  # [B, T, VOCAB]
    return logits

if __name__ == "__main__":
    import jax
    _d = setup_inputs()
    print(jax.jit(kernel)(*tuple(_d.values())))

</pallas_src>

<mosaic_0001>
#map = affine_map<(d0, d1) -> (0, 0, 0)>
#map1 = affine_map<(d0, d1) -> (0, 0)>
module attributes {stable_mosaic.version = 14 : i64} {
  func.func @_gather_body(%arg0: i32, %arg1: i32, %arg2: memref<32x64x4xi32, #tpu.memory_space<hbm>>, %arg3: memref<8192x8192xf32, #tpu.memory_space<hbm>>, %arg4: memref<8192x8192xf32, #tpu.memory_space<hbm>>, %arg5: memref<64x4xi32, #tpu.memory_space<vmem>>, %arg6: memref<3x4x8192xf32, #tpu.memory_space<vmem>>, %arg7: memref<3x!tpu.dma_semaphore, #tpu.memory_space<semaphore_mem>>, %arg8: memref<3x!tpu.dma_semaphore, #tpu.memory_space<semaphore_mem>>) attributes {dimension_semantics = [#tpu.dimension_semantics<core_parallel>, #tpu.dimension_semantics<subcore_parallel>], iteration_bounds = array<i64: 2, 16>, scalar_prefetch = 0 : i64, scratch_operands = 4 : i64, tpu.core_type = #tpu.core_type<sc_vector_subcore>, window_params = [{transform_indices = #map}, {transform_indices = #map1}, {transform_indices = #map1}]} {
    %mul3A = arith.constant 2 : i32
    %mul3A_0 = arith.muli %arg1, %mul3A : i32
    %add3A = arith.addi %mul3A_0, %arg0 : i32
    %mul3A_1 = arith.constant 256 : i32
    %mul3A_2 = arith.muli %add3A, %mul3A_1 : i32
    "tpu.region"() ({
      %run_scoped3A = tpu.sem_alloc : memref<!tpu.dma_semaphore, #tpu.memory_space<semaphore_mem>>
      %dma_start3A_89 = arith.constant 0 : i32
      %dma_start3A_90 = arith.constant 0 : i32
      %dma_start3A_91 = tpu.memref_slice %arg2[%add3A, %dma_start3A_89, %dma_start3A_90] : memref<32x64x4xi32, #tpu.memory_space<hbm>> -> memref<1x64x4xi32, #tpu.memory_space<hbm>>
      %dma_start3A_92 = tpu.memref_squeeze %dma_start3A_91 : memref<1x64x4xi32, #tpu.memory_space<hbm>> -> memref<64x4xi32, #tpu.memory_space<hbm>>
      %dma_start3A_93 = arith.constant 0 : i32
      %dma_start3A_94 = arith.constant 0 : i32
      %dma_start3A_95 = tpu.memref_slice %arg2[%add3A, %dma_start3A_93, %dma_start3A_94] : memref<32x64x4xi32, #tpu.memory_space<hbm>> -> memref<1x64x4xi32, #tpu.memory_space<hbm>>
      %dma_start3A_96 = tpu.memref_squeeze %dma_start3A_95 : memref<1x64x4xi32, #tpu.memory_space<hbm>> -> memref<64x4xi32, #tpu.memory_space<hbm>>
      tpu.enqueue_dma source(%dma_start3A_96 : memref<64x4xi32, #tpu.memory_space<hbm>>) target(%arg5 : memref<64x4xi32, #tpu.memory_space<vmem>>) target_semaphore(%run_scoped3A : memref<!tpu.dma_semaphore, #tpu.memory_space<semaphore_mem>>)
      %dma_wait3A_97 = arith.constant 0 : i32
      %dma_wait3A_98 = arith.constant 0 : i32
      %dma_wait3A_99 = tpu.memref_slice %arg2[%add3A, %dma_wait3A_97, %dma_wait3A_98] : memref<32x64x4xi32, #tpu.memory_space<hbm>> -> memref<1x64x4xi32, #tpu.memory_space<hbm>>
      %dma_wait3A_100 = tpu.memref_squeeze %dma_wait3A_99 : memref<1x64x4xi32, #tpu.memory_space<hbm>> -> memref<64x4xi32, #tpu.memory_space<hbm>>
      %dma_wait3A_101 = arith.constant 0 : i32
      %dma_wait3A_102 = arith.constant 0 : i32
      %dma_wait3A_103 = tpu.memref_slice %arg2[%add3A, %dma_wait3A_101, %dma_wait3A_102] : memref<32x64x4xi32, #tpu.memory_space<hbm>> -> memref<1x64x4xi32, #tpu.memory_space<hbm>>
      %dma_wait3A_104 = tpu.memref_squeeze %dma_wait3A_103 : memref<1x64x4xi32, #tpu.memory_space<hbm>> -> memref<64x4xi32, #tpu.memory_space<hbm>>
      tpu.wait_dma2 semaphore(%run_scoped3A : memref<!tpu.dma_semaphore, #tpu.memory_space<semaphore_mem>>) src(%dma_wait3A_104 : memref<64x4xi32, #tpu.memory_space<hbm>>) dst(%arg5 : memref<64x4xi32, #tpu.memory_space<vmem>>)
      tpu.yield
    }) : () -> ()
    %dma_start3A = arith.constant 0 : i32
    %dma_start3A_3 = arith.constant 0 : i32
    %dma_start3A_4 = arith.constant 0 : i32
    %dma_start3A_5 = arith.constant 0 : i32
    %dma_start3A_6 = arith.constant 0 : i32
    %dma_start3A_7 = tpu.memref_slice %arg6[%dma_start3A_3, %dma_start3A_5, %dma_start3A_6] : memref<3x4x8192xf32, #tpu.memory_space<vmem>> -> memref<1x4x8192xf32, #tpu.memory_space<vmem>>
    %dma_start3A_8 = tpu.memref_squeeze %dma_start3A_7 : memref<1x4x8192xf32, #tpu.memory_space<vmem>> -> memref<4x8192xf32, #tpu.memory_space<vmem>>
    %dma_start3A_9 = arith.constant 0 : i32
    %dma_start3A_10 = tpu.memref_slice %arg5[%dma_start3A, %dma_start3A_9] : memref<64x4xi32, #tpu.memory_space<vmem>> -> memref<1x4xi32, #tpu.memory_space<vmem>>
    %dma_start3A_11 = tpu.memref_squeeze %dma_start3A_10 : memref<1x4xi32, #tpu.memory_space<vmem>> -> memref<4xi32, #tpu.memory_space<vmem>>
    %dma_start3A_12 = arith.constant 0 : i32
    %dma_start3A_13 = arith.constant 0 : i32
    %dma_start3A_14 = tpu.memref_slice %arg3[%dma_start3A_12, %dma_start3A_13] : memref<8192x8192xf32, #tpu.memory_space<hbm>> -> memref<8192x8192xf32, #tpu.memory_space<hbm>>
    %dma_start3A_15 = tpu.memref_slice %arg7[%dma_start3A_4] : memref<3x!tpu.dma_semaphore, #tpu.memory_space<semaphore_mem>> -> memref<1x!tpu.dma_semaphore, #tpu.memory_space<semaphore_mem>>
    %dma_start3A_16 = tpu.memref_squeeze %dma_start3A_15 : memref<1x!tpu.dma_semaphore, #tpu.memory_space<semaphore_mem>> -> memref<!tpu.dma_semaphore, #tpu.memory_space<semaphore_mem>>
    tpu.enqueue_indirect_dma source(%dma_start3A_14 : memref<8192x8192xf32, #tpu.memory_space<hbm>>) target(%dma_start3A_8 : memref<4x8192xf32, #tpu.memory_space<vmem>>) offsets(%dma_start3A_11 : memref<4xi32, #tpu.memory_space<vmem>>) semaphore(%dma_start3A_16 : memref<!tpu.dma_semaphore, #tpu.memory_space<semaphore_mem>>)
    %dma_start3A_17 = arith.constant 1 : i32
    %dma_start3A_18 = arith.constant 1 : i32
    %dma_start3A_19 = arith.constant 1 : i32
    %dma_start3A_20 = arith.constant 0 : i32
    %dma_start3A_21 = arith.constant 0 : i32
    %dma_start3A_22 = tpu.memref_slice %arg6[%dma_start3A_18, %dma_start3A_20, %dma_start3A_21] : memref<3x4x8192xf32, #tpu.memory_space<vmem>> -> memref<1x4x8192xf32, #tpu.memory_space<vmem>>
    %dma_start3A_23 = tpu.memref_squeeze %dma_start3A_22 : memref<1x4x8192xf32, #tpu.memory_space<vmem>> -> memref<4x8192xf32, #tpu.memory_space<vmem>>
    %dma_start3A_24 = arith.constant 0 : i32
    %dma_start3A_25 = tpu.memref_slice %arg5[%dma_start3A_17, %dma_start3A_24] : memref<64x4xi32, #tpu.memory_space<vmem>> -> memref<1x4xi32, #tpu.memory_space<vmem>>
    %dma_start3A_26 = tpu.memref_squeeze %dma_start3A_25 : memref<1x4xi32, #tpu.memory_space<vmem>> -> memref<4xi32, #tpu.memory_space<vmem>>
    %dma_start3A_27 = arith.constant 0 : i32
    %dma_start3A_28 = arith.constant 0 : i32
    %dma_start3A_29 = tpu.memref_slice %arg3[%dma_start3A_27, %dma_start3A_28] : memref<8192x8192xf32, #tpu.memory_space<hbm>> -> memref<8192x8192xf32, #tpu.memory_space<hbm>>
    %dma_start3A_30 = tpu.memref_slice %arg7[%dma_start3A_19] : memref<3x!tpu.dma_semaphore, #tpu.memory_space<semaphore_mem>> -> memref<1x!tpu.dma_semaphore, #tpu.memory_space<semaphore_mem>>
    %dma_start3A_31 = tpu.memref_squeeze %dma_start3A_30 : memref<1x!tpu.dma_semaphore, #tpu.memory_space<semaphore_mem>> -> memref<!tpu.dma_semaphore, #tpu.memory_space<semaphore_mem>>
    tpu.enqueue_indirect_dma source(%dma_start3A_29 : memref<8192x8192xf32, #tpu.memory_space<hbm>>) target(%dma_start3A_23 : memref<4x8192xf32, #tpu.memory_space<vmem>>) offsets(%dma_start3A_26 : memref<4xi32, #tpu.memory_space<vmem>>) semaphore(%dma_start3A_31 : memref<!tpu.dma_semaphore, #tpu.memory_space<semaphore_mem>>)
    %scan3A = arith.constant 0 : i32
    %scan3A_32 = arith.constant 64 : i32
    %scan3A_33 = arith.addi %scan3A, %scan3A_32 : i32
    %scan3A_34 = arith.constant 1 : i32
    scf.for %scan3A_89 = %scan3A to %scan3A_33 step %scan3A_34  : i32 {
      %mul3A_90 = arith.constant 1 : i32
      %mul3A_91 = arith.muli %scan3A_89, %mul3A_90 : i32
      %add3A_92 = arith.constant 0 : i32
      %add3A_93 = arith.addi %add3A_92, %mul3A_91 : i32
      %rem3A = arith.constant 3 : i32
      %rem3A_94 = arith.remsi %add3A_93, %rem3A : i32
      %add3A_95 = arith.constant 2 : i32
      %add3A_96 = arith.addi %add3A_93, %add3A_95 : i32
      %rem3A_97 = arith.constant 3 : i32
      %rem3A_98 = arith.remsi %add3A_96, %rem3A_97 : i32
      %add3A_99 = arith.constant 2 : i32
      %add3A_100 = arith.addi %add3A_93, %add3A_99 : i32
      %lt3A = arith.constant 64 : i32
      %lt3A_101 = arith.cmpi slt, %add3A_100, %lt3A : i32
      %convert_element_type3A = arith.extui %lt3A_101 : i1 to i32
      %cond3A = arith.constant 0 : i32
      %cond3A_102 = arith.cmpi ne, %convert_element_type3A, %cond3A : i32
      scf.if %cond3A_102 {
        %ge3A = arith.constant 1 : i32
        %ge3A_132 = arith.cmpi sge, %add3A_93, %ge3A : i32
        %convert_element_type3A_133 = arith.extui %ge3A_132 : i1 to i32
        %cond3A_134 = arith.constant 0 : i32
        %cond3A_135 = arith.cmpi ne, %convert_element_type3A_133, %cond3A_134 : i32
        scf.if %cond3A_135 {
          %sub3A = arith.constant 1 : i32
          %sub3A_150 = arith.subi %add3A_93, %sub3A : i32
          %mul3A_151 = arith.constant 4 : i32
          %mul3A_152 = arith.muli %sub3A_150, %mul3A_151 : i32
          %add3A_153 = arith.addi %mul3A_2, %mul3A_152 : i32
          %dma_wait3A_154 = arith.constant 0 : i32
          %dma_wait3A_155 = arith.constant 0 : i32
          %dma_wait3A_156 = tpu.memref_slice %arg6[%rem3A_98, %dma_wait3A_154, %dma_wait3A_155] : memref<3x4x8192xf32, #tpu.memory_space<vmem>> -> memref<1x4x8192xf32, #tpu.memory_space<vmem>>
          %dma_wait3A_157 = tpu.memref_squeeze %dma_wait3A_156 : memref<1x4x8192xf32, #tpu.memory_space<vmem>> -> memref<4x8192xf32, #tpu.memory_space<vmem>>
          %dma_wait3A_158 = arith.constant 0 : i32
          %dma_wait3A_159 = tpu.memref_slice %arg4[%add3A_153, %dma_wait3A_158] : memref<8192x8192xf32, #tpu.memory_space<hbm>> -> memref<4x8192xf32, #tpu.memory_space<hbm>>
          %dma_wait3A_160 = tpu.memref_slice %arg8[%rem3A_98] : memref<3x!tpu.dma_semaphore, #tpu.memory_space<semaphore_mem>> -> memref<1x!tpu.dma_semaphore, #tpu.memory_space<semaphore_mem>>
          %dma_wait3A_161 = tpu.memref_squeeze %dma_wait3A_160 : memref<1x!tpu.dma_semaphore, #tpu.memory_space<semaphore_mem>> -> memref<!tpu.dma_semaphore, #tpu.memory_space<semaphore_mem>>
          %dma_wait3A_162 = arith.constant 0 : i32
          %dma_wait3A_163 = tpu.memref_slice %arg4[%add3A_153, %dma_wait3A_162] : memref<8192x8192xf32, #tpu.memory_space<hbm>> -> memref<4x8192xf32, #tpu.memory_space<hbm>>
          %dma_wait3A_164 = arith.constant 0 : i32
          %dma_wait3A_165 = arith.constant 0 : i32
          %dma_wait3A_166 = tpu.memref_slice %arg6[%rem3A_98, %dma_wait3A_164, %dma_wait3A_165] : memref<3x4x8192xf32, #tpu.memory_space<vmem>> -> memref<1x4x8192xf32, #tpu.memory_space<vmem>>
          %dma_wait3A_167 = tpu.memref_squeeze %dma_wait3A_166 : memref<1x4x8192xf32, #tpu.memory_space<vmem>> -> memref<4x8192xf32, #tpu.memory_space<vmem>>
          tpu.wait_dma2 semaphore(%dma_wait3A_161 : memref<!tpu.dma_semaphore, #tpu.memory_space<semaphore_mem>>) src(%dma_wait3A_167 : memref<4x8192xf32, #tpu.memory_space<vmem>>) dst(%dma_wait3A_163 : memref<4x8192xf32, #tpu.memory_space<hbm>>)
        } else {
        }
        %add3A_136 = arith.constant 2 : i32
        %add3A_137 = arith.addi %add3A_93, %add3A_136 : i32
        %dma_start3A_138 = arith.constant 0 : i32
        %dma_start3A_139 = arith.constant 0 : i32
        %dma_start3A_140 = tpu.memref_slice %arg6[%rem3A_98, %dma_start3A_138, %dma_start3A_139] : memref<3x4x8192xf32, #tpu.memory_space<vmem>> -> memref<1x4x8192xf32, #tpu.memory_space<vmem>>
        %dma_start3A_141 = tpu.memref_squeeze %dma_start3A_140 : memref<1x4x8192xf32, #tpu.memory_space<vmem>> -> memref<4x8192xf32, #tpu.memory_space<vmem>>
        %dma_start3A_142 = arith.constant 0 : i32
        %dma_start3A_143 = tpu.memref_slice %arg5[%add3A_137, %dma_start3A_142] : memref<64x4xi32, #tpu.memory_space<vmem>> -> memref<1x4xi32, #tpu.memory_space<vmem>>
        %dma_start3A_144 = tpu.memref_squeeze %dma_start3A_143 : memref<1x4xi32, #tpu.memory_space<vmem>> -> memref<4xi32, #tpu.memory_space<vmem>>
        %dma_start3A_145 = arith.constant 0 : i32
        %dma_start3A_146 = arith.constant 0 : i32
        %dma_start3A_147 = tpu.memref_slice %arg3[%dma_start3A_145, %dma_start3A_146] : memref<8192x8192xf32, #tpu.memory_space<hbm>> -> memref<8192x8192xf32, #tpu.memory_space<hbm>>
        %dma_start3A_148 = tpu.memref_slice %arg7[%rem3A_98] : memref<3x!tpu.dma_semaphore, #tpu.memory_space<semaphore_mem>> -> memref<1x!tpu.dma_semaphore, #tpu.memory_space<semaphore_mem>>
        %dma_start3A_149 = tpu.memref_squeeze %dma_start3A_148 : memref<1x!tpu.dma_semaphore, #tpu.memory_space<semaphore_mem>> -> memref<!tpu.dma_semaphore, #tpu.memory_space<semaphore_mem>>
        tpu.enqueue_indirect_dma source(%dma_start3A_147 : memref<8192x8192xf32, #tpu.memory_space<hbm>>) target(%dma_start3A_141 : memref<4x8192xf32, #tpu.memory_space<vmem>>) offsets(%dma_start3A_144 : memref<4xi32, #tpu.memory_space<vmem>>) semaphore(%dma_start3A_149 : memref<!tpu.dma_semaphore, #tpu.memory_space<semaphore_mem>>)
      } else {
      }
      %dma_wait3A_103 = arith.constant 0 : i32
      %dma_wait3A_104 = arith.constant 0 : i32
      %dma_wait3A_105 = tpu.memref_slice %arg6[%rem3A_94, %dma_wait3A_103, %dma_wait3A_104] : memref<3x4x8192xf32, #tpu.memory_space<vmem>> -> memref<1x4x8192xf32, #tpu.memory_space<vmem>>
      %dma_wait3A_106 = tpu.memref_squeeze %dma_wait3A_105 : memref<1x4x8192xf32, #tpu.memory_space<vmem>> -> memref<4x8192xf32, #tpu.memory_space<vmem>>
      %dma_wait3A_107 = arith.constant 0 : i32
      %dma_wait3A_108 = tpu.memref_slice %arg5[%add3A_93, %dma_wait3A_107] : memref<64x4xi32, #tpu.memory_space<vmem>> -> memref<1x4xi32, #tpu.memory_space<vmem>>
      %dma_wait3A_109 = tpu.memref_squeeze %dma_wait3A_108 : memref<1x4xi32, #tpu.memory_space<vmem>> -> memref<4xi32, #tpu.memory_space<vmem>>
      %dma_wait3A_110 = arith.constant 0 : i32
      %dma_wait3A_111 = arith.constant 0 : i32
      %dma_wait3A_112 = tpu.memref_slice %arg3[%dma_wait3A_110, %dma_wait3A_111] : memref<8192x8192xf32, #tpu.memory_space<hbm>> -> memref<8192x8192xf32, #tpu.memory_space<hbm>>
      %dma_wait3A_113 = tpu.memref_slice %arg7[%rem3A_94] : memref<3x!tpu.dma_semaphore, #tpu.memory_space<semaphore_mem>> -> memref<1x!tpu.dma_semaphore, #tpu.memory_space<semaphore_mem>>
      %dma_wait3A_114 = tpu.memref_squeeze %dma_wait3A_113 : memref<1x!tpu.dma_semaphore, #tpu.memory_space<semaphore_mem>> -> memref<!tpu.dma_semaphore, #tpu.memory_space<semaphore_mem>>
      tpu.wait_indirect_dma semaphore(%dma_wait3A_114 : memref<!tpu.dma_semaphore, #tpu.memory_space<semaphore_mem>>) src(%dma_wait3A_112 : memref<8192x8192xf32, #tpu.memory_space<hbm>>) dst(%dma_wait3A_106 : memref<4x8192xf32, #tpu.memory_space<vmem>>)
      %mul3A_115 = arith.constant 4 : i32
      %mul3A_116 = arith.muli %add3A_93, %mul3A_115 : i32
      %add3A_117 = arith.addi %mul3A_2, %mul3A_116 : i32
      %dma_start3A_118 = arith.constant 0 : i32
      %dma_start3A_119 = arith.constant 0 : i32
      %dma_start3A_120 = tpu.memref_slice %arg6[%rem3A_94, %dma_start3A_118, %dma_start3A_119] : memref<3x4x8192xf32, #tpu.memory_space<vmem>> -> memref<1x4x8192xf32, #tpu.memory_space<vmem>>
      %dma_start3A_121 = tpu.memref_squeeze %dma_start3A_120 : memref<1x4x8192xf32, #tpu.memory_space<vmem>> -> memref<4x8192xf32, #tpu.memory_space<vmem>>
      %dma_start3A_122 = arith.constant 0 : i32
      %dma_start3A_123 = tpu.memref_slice %arg4[%add3A_117, %dma_start3A_122] : memref<8192x8192xf32, #tpu.memory_space<hbm>> -> memref<4x8192xf32, #tpu.memory_space<hbm>>
      %dma_start3A_124 = tpu.memref_slice %arg8[%rem3A_94] : memref<3x!tpu.dma_semaphore, #tpu.memory_space<semaphore_mem>> -> memref<1x!tpu.dma_semaphore, #tpu.memory_space<semaphore_mem>>
      %dma_start3A_125 = tpu.memref_squeeze %dma_start3A_124 : memref<1x!tpu.dma_semaphore, #tpu.memory_space<semaphore_mem>> -> memref<!tpu.dma_semaphore, #tpu.memory_space<semaphore_mem>>
      %dma_start3A_126 = arith.constant 0 : i32
      %dma_start3A_127 = tpu.memref_slice %arg4[%add3A_117, %dma_start3A_126] : memref<8192x8192xf32, #tpu.memory_space<hbm>> -> memref<4x8192xf32, #tpu.memory_space<hbm>>
      %dma_start3A_128 = arith.constant 0 : i32
      %dma_start3A_129 = arith.constant 0 : i32
      %dma_start3A_130 = tpu.memref_slice %arg6[%rem3A_94, %dma_start3A_128, %dma_start3A_129] : memref<3x4x8192xf32, #tpu.memory_space<vmem>> -> memref<1x4x8192xf32, #tpu.memory_space<vmem>>
      %dma_start3A_131 = tpu.memref_squeeze %dma_start3A_130 : memref<1x4x8192xf32, #tpu.memory_space<vmem>> -> memref<4x8192xf32, #tpu.memory_space<vmem>>
      tpu.enqueue_dma source(%dma_start3A_131 : memref<4x8192xf32, #tpu.memory_space<vmem>>) target(%dma_start3A_127 : memref<4x8192xf32, #tpu.memory_space<hbm>>) target_semaphore(%dma_start3A_125 : memref<!tpu.dma_semaphore, #tpu.memory_space<semaphore_mem>>)
    }
    %scan3A_35 = arith.constant 64 : i32
    %add3A_36 = arith.constant 244 : i32
    %add3A_37 = arith.addi %mul3A_2, %add3A_36 : i32
    %dma_wait3A = arith.constant 1 : i32
    %dma_wait3A_38 = arith.constant 1 : i32
    %dma_wait3A_39 = arith.constant 0 : i32
    %dma_wait3A_40 = arith.constant 0 : i32
    %dma_wait3A_41 = tpu.memref_slice %arg6[%dma_wait3A, %dma_wait3A_39, %dma_wait3A_40] : memref<3x4x8192xf32, #tpu.memory_space<vmem>> -> memref<1x4x8192xf32, #tpu.memory_space<vmem>>
    %dma_wait3A_42 = tpu.memref_squeeze %dma_wait3A_41 : memref<1x4x8192xf32, #tpu.memory_space<vmem>> -> memref<4x8192xf32, #tpu.memory_space<vmem>>
    %dma_wait3A_43 = arith.constant 0 : i32
    %dma_wait3A_44 = tpu.memref_slice %arg4[%add3A_37, %dma_wait3A_43] : memref<8192x8192xf32, #tpu.memory_space<hbm>> -> memref<4x8192xf32, #tpu.memory_space<hbm>>
    %dma_wait3A_45 = tpu.memref_slice %arg8[%dma_wait3A_38] : memref<3x!tpu.dma_semaphore, #tpu.memory_space<semaphore_mem>> -> memref<1x!tpu.dma_semaphore, #tpu.memory_space<semaphore_mem>>
    %dma_wait3A_46 = tpu.memref_squeeze %dma_wait3A_45 : memref<1x!tpu.dma_semaphore, #tpu.memory_space<semaphore_mem>> -> memref<!tpu.dma_semaphore, #tpu.memory_space<semaphore_mem>>
    %dma_wait3A_47 = arith.constant 0 : i32
    %dma_wait3A_48 = tpu.memref_slice %arg4[%add3A_37, %dma_wait3A_47] : memref<8192x8192xf32, #tpu.memory_space<hbm>> -> memref<4x8192xf32, #tpu.memory_space<hbm>>
    %dma_wait3A_49 = arith.constant 0 : i32
    %dma_wait3A_50 = arith.constant 0 : i32
    %dma_wait3A_51 = tpu.memref_slice %arg6[%dma_wait3A, %dma_wait3A_49, %dma_wait3A_50] : memref<3x4x8192xf32, #tpu.memory_space<vmem>> -> memref<1x4x8192xf32, #tpu.memory_space<vmem>>
    %dma_wait3A_52 = tpu.memref_squeeze %dma_wait3A_51 : memref<1x4x8192xf32, #tpu.memory_space<vmem>> -> memref<4x8192xf32, #tpu.memory_space<vmem>>
    tpu.wait_dma2 semaphore(%dma_wait3A_46 : memref<!tpu.dma_semaphore, #tpu.memory_space<semaphore_mem>>) src(%dma_wait3A_52 : memref<4x8192xf32, #tpu.memory_space<vmem>>) dst(%dma_wait3A_48 : memref<4x8192xf32, #tpu.memory_space<hbm>>)
    %add3A_53 = arith.constant 248 : i32
    %add3A_54 = arith.addi %mul3A_2, %add3A_53 : i32
    %dma_wait3A_55 = arith.constant 2 : i32
    %dma_wait3A_56 = arith.constant 2 : i32
    %dma_wait3A_57 = arith.constant 0 : i32
    %dma_wait3A_58 = arith.constant 0 : i32
    %dma_wait3A_59 = tpu.memref_slice %arg6[%dma_wait3A_55, %dma_wait3A_57, %dma_wait3A_58] : memref<3x4x8192xf32, #tpu.memory_space<vmem>> -> memref<1x4x8192xf32, #tpu.memory_space<vmem>>
    %dma_wait3A_60 = tpu.memref_squeeze %dma_wait3A_59 : memref<1x4x8192xf32, #tpu.memory_space<vmem>> -> memref<4x8192xf32, #tpu.memory_space<vmem>>
    %dma_wait3A_61 = arith.constant 0 : i32
    %dma_wait3A_62 = tpu.memref_slice %arg4[%add3A_54, %dma_wait3A_61] : memref<8192x8192xf32, #tpu.memory_space<hbm>> -> memref<4x8192xf32, #tpu.memory_space<hbm>>
    %dma_wait3A_63 = tpu.memref_slice %arg8[%dma_wait3A_56] : memref<3x!tpu.dma_semaphore, #tpu.memory_space<semaphore_mem>> -> memref<1x!tpu.dma_semaphore, #tpu.memory_space<semaphore_mem>>
    %dma_wait3A_64 = tpu.memref_squeeze %dma_wait3A_63 : memref<1x!tpu.dma_semaphore, #tpu.memory_space<semaphore_mem>> -> memref<!tpu.dma_semaphore, #tpu.memory_space<semaphore_mem>>
    %dma_wait3A_65 = arith.constant 0 : i32
    %dma_wait3A_66 = tpu.memref_slice %arg4[%add3A_54, %dma_wait3A_65] : memref<8192x8192xf32, #tpu.memory_space<hbm>> -> memref<4x8192xf32, #tpu.memory_space<hbm>>
    %dma_wait3A_67 = arith.constant 0 : i32
    %dma_wait3A_68 = arith.constant 0 : i32
    %dma_wait3A_69 = tpu.memref_slice %arg6[%dma_wait3A_55, %dma_wait3A_67, %dma_wait3A_68] : memref<3x4x8192xf32, #tpu.memory_space<vmem>> -> memref<1x4x8192xf32, #tpu.memory_space<vmem>>
    %dma_wait3A_70 = tpu.memref_squeeze %dma_wait3A_69 : memref<1x4x8192xf32, #tpu.memory_space<vmem>> -> memref<4x8192xf32, #tpu.memory_space<vmem>>
    tpu.wait_dma2 semaphore(%dma_wait3A_64 : memref<!tpu.dma_semaphore, #tpu.memory_space<semaphore_mem>>) src(%dma_wait3A_70 : memref<4x8192xf32, #tpu.memory_space<vmem>>) dst(%dma_wait3A_66 : memref<4x8192xf32, #tpu.memory_space<hbm>>)
    %add3A_71 = arith.constant 252 : i32
    %add3A_72 = arith.addi %mul3A_2, %add3A_71 : i32
    %dma_wait3A_73 = arith.constant 0 : i32
    %dma_wait3A_74 = arith.constant 0 : i32
    %dma_wait3A_75 = arith.constant 0 : i32
    %dma_wait3A_76 = arith.constant 0 : i32
    %dma_wait3A_77 = tpu.memref_slice %arg6[%dma_wait3A_73, %dma_wait3A_75, %dma_wait3A_76] : memref<3x4x8192xf32, #tpu.memory_space<vmem>> -> memref<1x4x8192xf32, #tpu.memory_space<vmem>>
    %dma_wait3A_78 = tpu.memref_squeeze %dma_wait3A_77 : memref<1x4x8192xf32, #tpu.memory_space<vmem>> -> memref<4x8192xf32, #tpu.memory_space<vmem>>
    %dma_wait3A_79 = arith.constant 0 : i32
    %dma_wait3A_80 = tpu.memref_slice %arg4[%add3A_72, %dma_wait3A_79] : memref<8192x8192xf32, #tpu.memory_space<hbm>> -> memref<4x8192xf32, #tpu.memory_space<hbm>>
    %dma_wait3A_81 = tpu.memref_slice %arg8[%dma_wait3A_74] : memref<3x!tpu.dma_semaphore, #tpu.memory_space<semaphore_mem>> -> memref<1x!tpu.dma_semaphore, #tpu.memory_space<semaphore_mem>>
    %dma_wait3A_82 = tpu.memref_squeeze %dma_wait3A_81 : memref<1x!tpu.dma_semaphore, #tpu.memory_space<semaphore_mem>> -> memref<!tpu.dma_semaphore, #tpu.memory_space<semaphore_mem>>
    %dma_wait3A_83 = arith.constant 0 : i32
    %dma_wait3A_84 = tpu.memref_slice %arg4[%add3A_72, %dma_wait3A_83] : memref<8192x8192xf32, #tpu.memory_space<hbm>> -> memref<4x8192xf32, #tpu.memory_space<hbm>>
    %dma_wait3A_85 = arith.constant 0 : i32
    %dma_wait3A_86 = arith.constant 0 : i32
    %dma_wait3A_87 = tpu.memref_slice %arg6[%dma_wait3A_73, %dma_wait3A_85, %dma_wait3A_86] : memref<3x4x8192xf32, #tpu.memory_space<vmem>> -> memref<1x4x8192xf32, #tpu.memory_space<vmem>>
    %dma_wait3A_88 = tpu.memref_squeeze %dma_wait3A_87 : memref<1x4x8192xf32, #tpu.memory_space<vmem>> -> memref<4x8192xf32, #tpu.memory_space<vmem>>
    tpu.wait_dma2 semaphore(%dma_wait3A_82 : memref<!tpu.dma_semaphore, #tpu.memory_space<semaphore_mem>>) src(%dma_wait3A_88 : memref<4x8192xf32, #tpu.memory_space<vmem>>) dst(%dma_wait3A_84 : memref<4x8192xf32, #tpu.memory_space<hbm>>)
    return
  }
}

</mosaic_0001>

<sc_bundles>
// kernel: _gather.3.cloned.1.call-start
scs
__scs_entry_jumppad:
0x0: {  	(pc) =	sbr.rel $0x88, $3  }
0x1: {  	(tag) =	ssettag $0x0;
	lr =	simm.s32 $0x1  }
0x2: {  	[smem:$0x3F9F] =	sst lr;
	_ =	strace $0xD0000000  }
0x3: {  	_ = 	snop  }
0x4: {  	_ = 	snop  }
0x5: {  	_ = 	snop  }
0x6: {  	_ = 	snop  }
0x7: {  	_ = 	snop  }
__scs_overlays_trampoline_lowered:
0x8: {  	[smem:$0x3FAE] =	sst s0  }
0x9: {  	[smem:$0x3FAF] =	sst s1  }
0xa: {  	[smem:$0x3FB0] =	sst s2  }
0xb: {  	[smem:$0x3FB1] =	sst s3  }
0xc: {  	[smem:$0x3FB2] =	sst s4  }
0xd: {  	[smem:$0x3FB3] =	sst s5  }
0xe: {  	[smem:$0x3FB4] =	sst s6  }
0xf: {  	[smem:$0x3FB5] =	sst s7  }
0x10: {  	[smem:$0x3FB6] =	sst s8  }
0x11: {  	[smem:$0x3FB7] =	sst s9;
	s0 =	simm.s32 @!p0 $0x0  }
0x12: {  	s1 =	sld [smem:$0x3F9D];
	s0 =	simm.s32 @p0 $0x1  }
0x13: {  	[smem:$0x3FB8] =	sst s0;
	s0 =	simm.s32 @!p1 $0x0  }
0x14: {  	s2 =	sld [smem:$0x3F9C];
	s0 =	simm.s32 @p1 $0x1  }
0x15: {  	[smem:$0x3FB9] =	sst s0;
	s0 =	simm.s32 @!p2 $0x0  }
0x16: {  	s3 =	sld [smem:$0x3FDB];
	s0 =	simm.s32 @p2 $0x1  }
0x17: {  	s4 =	simm.s32 $0x1BF5;
	[smem:$0x3FBB] =	sst s0  }
0x18: {  	s0 =	sld [smem:$0x3F9E];
	_ =	swait.ge [sflag:s4], $0x0  }
0x19: {  	s7 =	sld [smem:$0x3F9F]  }
0x1a: {  	s8 =	sadd.s32 $0xFFFFE003, lr  }
0x1b: {  	s9 =	sadd.s32 $0xFFFFFEF7, lr;
	s5 =	simm.s32 $0xFFFFFFFF;
	p2 =	slt.u32 s8, $0xFFFFF086  }
0x1c: {  	p1 =	slt.u32 s9, $0xF7A;
	s5 =	simm.s32 @!p2 $0x0  }
0x1d: {  	s5 =	simm.s32 @p1 $0x1;
	p0 =	seq.s32 s7, s2  }
0x1e: {  	s7 =	smul.u32 @!p0 $0xF7A, s2;
	p2 =	seq.s32 @!p0 s5, $0x0  }
0x1f: {  	s9 =	smul.u32 $0xF7A, s1;
	s8 =	simm.s32 @!p0 $0x1BF5;
	p2 =	por !p2, p0  }
0x20: {  	[sflag:s8] =	ssyncset.s32 @!p0 $0xFFFFF086;
	s6 =	sadd.s32 @!p0 s3, s7;
	s7 =	simm.s32 @!p0 $0x108  }
0x21: {  	s3 =	sadd.s32 s3, s9;
	s6 =	sadd.s32 @!p0 $0x88, s6;
	s7 =	simm.s32 @p2 $0x1082  }
0x22: {  	[simem:s7], [sflag:s8] =	dma.local @!p0 [hbm:s6], $0xF7A  }
0x23: {  	s9 =	sor.u32 $0xD0000000, s2;
	s6 =	simm.s32 $0x108;
	_ =	swait.ge @!p0 [sflag:s8], $0x0  }
0x24: {  	s3 =	sadd.s32 $0x88, s3;
	s6 =	simm.s32 @!p1 $0x1082;
	[sflag:s4] =	ssyncset.s32 $0xFFFFF086  }
0x25: {  	[simem:s6], [sflag:s4] =	dma.local [hbm:s3], $0xF7A  }
0x26: {  	[smem:$0x3F9F] =	sst s1;
	(tag) =	ssettag s2;
	_ =	strace s9  }
0x27: {  	s1 =	sld [smem:$0x3FAF]  }
0x28: {  	s2 =	sld [smem:$0x3FB0]  }
0x29: {  	s4 =	sld [smem:$0x3FB2]  }
0x2a: {  	p0 =	seq.s32 s5, $0x0;
	s5 =	sld [smem:$0x3FB3]  }
0x2b: {  	s6 =	sld [smem:$0x3FB4]  }
0x2c: {  	s7 =	sld [smem:$0x3FB5]  }
0x2d: {  	s3 =	simm.s32 $0x108;
	s8 =	sld [smem:$0x3FB6]  }
0x2e: {  	s3 =	simm.s32 @!p0 $0x1082;
	s9 =	sld [smem:$0x3FB7]  }
0x2f: {  	lr =	sadd.s32 s0, s3;
	s0 =	sld [smem:$0x3FAE]  }
0x30: {  	s3 =	sld [smem:$0x3FB1]  }
0x31: {  	[smem:$0x3FBA] =	sst s10  }
0x32: {  	s10 =	sld [smem:$0x3FB8];
	_ =	sdelay $0x3  }
0x33: {  	p0 =	seq.s32 s10, $0x1;
	s10 =	sld [smem:$0x3FBA];
	_ =	sdelay $0x3  }
0x34: {  	[smem:$0x3FBA] =	sst s10  }
0x35: {  	s10 =	sld [smem:$0x3FB9];
	_ =	sdelay $0x3  }
0x36: {  	p1 =	seq.s32 s10, $0x1;
	s10 =	sld [smem:$0x3FBA];
	_ =	sdelay $0x3  }
0x37: {  	[smem:$0x3FBA] =	sst s10  }
0x38: {  	s10 =	sld [smem:$0x3FBB]  }
0x39: {  	_ = 	snop;
	(pc) =	sbr.ind lr, $3  }
0x3a: {  	_ = 	snop  }
0x3b: {  	_ = 	snop  }
0x3c: {  	p2 =	seq.s32 s10, $0x1;
	s10 =	sld [smem:$0x3FBA]  }
0x3d: {  	_ =	shalt  }
0x3e: {  	_ =	shalt  }
0x3f: {  	_ =	shalt  }
0x40: {  	_ =	shalt  }
0x41: {  	_ =	shalt  }
0x42: {  	_ =	shalt  }
0x43: {  	_ =	shalt  }
0x44: {  	_ =	shalt  }
0x45: {  	_ =	shalt  }
0x46: {  	_ =	shalt  }
0x47: {  	_ =	shalt  }
0x48: {  	_ =	shalt  }
0x49: {  	_ =	shalt  }
0x4a: {  	_ =	shalt  }
0x4b: {  	_ =	shalt  }
0x4c: {  	_ =	shalt  }
0x4d: {  	_ =	shalt  }
0x4e: {  	_ =	shalt  }
0x4f: {  	_ =	shalt  }
0x50: {  	_ =	shalt  }
0x51: {  	_ =	shalt  }
0x52: {  	_ =	shalt  }
0x53: {  	_ =	shalt  }
0x54: {  	_ =	shalt  }
0x55: {  	_ =	shalt  }
0x56: {  	_ =	shalt  }
0x57: {  	_ =	shalt  }
0x58: {  	_ =	shalt  }
0x59: {  	_ =	shalt  }
0x5a: {  	_ =	shalt  }
0x5b: {  	_ =	shalt  }
0x5c: {  	_ =	shalt  }
0x5d: {  	_ =	shalt  }
0x5e: {  	_ =	shalt  }
0x5f: {  	_ =	shalt  }
0x60: {  	_ =	shalt  }
0x61: {  	_ =	shalt  }
0x62: {  	_ =	shalt  }
0x63: {  	_ =	shalt  }
0x64: {  	_ =	shalt  }
0x65: {  	_ =	shalt  }
0x66: {  	_ =	shalt  }
0x67: {  	_ =	shalt  }
0x68: {  	_ =	shalt  }
0x69: {  	_ =	shalt  }
0x6a: {  	_ =	shalt  }
0x6b: {  	_ =	shalt  }
0x6c: {  	_ =	shalt  }
0x6d: {  	_ =	shalt  }
0x6e: {  	_ =	shalt  }
0x6f: {  	_ =	shalt  }
0x70: {  	_ =	shalt  }
0x71: {  	_ =	shalt  }
0x72: {  	_ =	shalt  }
0x73: {  	_ =	shalt  }
0x74: {  	_ =	shalt  }
0x75: {  	_ =	shalt  }
0x76: {  	_ =	shalt  }
0x77: {  	_ =	shalt  }
0x78: {  	_ =	shalt  }
0x79: {  	_ =	shalt  }
0x7a: {  	_ =	shalt  }
0x7b: {  	_ =	shalt  }
0x7c: {  	_ =	shalt  }
0x7d: {  	_ =	shalt  }
0x7e: {  	_ =	shalt  }
0x7f: {  	_ =	shalt  }
0x80: {  	_ =	shalt  }
0x81: {  	_ =	shalt  }
0x82: {  	_ =	shalt  }
0x83: {  	_ =	shalt  }
0x84: {  	_ =	shalt  }
0x85: {  	_ =	shalt  }
0x86: {  	_ =	shalt  }
0x87: {  	_ =	shalt  }
.Lfunc_end0:
.L_simem_size_0:
called_computation_lowered:
.L_overlay_start_0:
0x88: {  	s2 =	sld [smem:$0x3FD9]  }
0x89: {  	s3 =	sld [smem:$0x3FFE];
	_ =	sdelay $0x1  }
0x8a: {  	s1 =	srdreg.scid  }
0x8b: {  	s0 =	sand.u32 $0x1, s1  }
0x8c: {  	s17 =	sshll.u32 s0, $0xA;
	s2 =	sadd.s32 s3, s2  }
0x8d: {  	s2 =	sadd.s32 s2, s17  }
0x8e: {  	[smem:$0x3FC6] =	sst s2  }
0x8f: {  	_ = 	snop  }
0x90: {  	s2 =	sld [smem:$0x3FC8]  }
0x91: {  	s18 =	sld [smem:$0x3FD0];
	(tm) =	ssettm $0x1  }
0x92: {  	s4 =	sld [smem:$0x3FFB];
	_ =	sdelay $0x3  }
0x93: {  	_ =	strace s4  }
0x94: {  	s4 =	sld [smem:$0x3FFC];
	_ =	sdelay $0x3  }
0x95: {  	_ =	strace s4  }
0x96: {  	s4 =	sld [smem:$0x3FFD];
	_ =	sdelay $0x3  }
0x97: {  	_ =	strace s4  }
0x98: {  	_ =	strace $0x8FFFFFFF  }
0x99: {  	s19 =	sld [smem:$0x3FDB];
	_ =	sdelay $0x1  }
0x9a: {  	s5 =	simm.s32 $_scs_section_size  }
0x9b: {  	s6 =	simm.s32 $_size__tile_overlayer_lowered;
	s7 =	simm.s32 $_tile_overlayer_lowered  }
0x9c: {  	s22 =	simm.s32 $0x1BFF;
	s21 =	sshll.u32 s7, $0x1;
	s4 =	sadd.s32 s5, s19  }
0x9d: {  	s8 =	simm.s32 $0x0;
	s20 =	sshll.u32 s6, $0x1;
	s6 =	sadd.s32 s21, s4  }
0x9e: {  	[timem:s8], [sflag:s22] =	dma.local [hbm:s6], s20  }
0x9f: {  	_ =	swait.ge [sflag:s22], s20  }
0xa0: {  	s5 =	ssub.s32 $0x0, s20;
	[sflag:s22] =	ssyncset.done $0x0  }
0xa1: {  	[sflag:s22] =	ssyncadd.s32 s5;
	_ =	sdelay $0x1  }
0xa2: {  	s23 =	simm.s32 $0x1B8B  }
0xa3: {  	_ =	swait.ge [sflag:s23], $0x1  }
0xa4: {  	[sflag:s23] =	ssyncset.done $0x0  }
0xa5: {  	s25 =	simm.s32 $0x1B8E;
	s24 =	sld [smem:$0x3FFE];
	[sflag:s23] =	ssyncadd.s32 $0xFFFFFFFF  }
0xa6: {  	s26 =	simm.s32 $execute0_lowered;
	[smem:$0x3FD2] =	sst s25  }
0xa7: {  	s6 =	sshll.u32 s26, $0x1;
	_ =	strace $0x80000046;
	[dreg:$0x1] =	wrdreg $0xFFFFFFFF  }
0xa8: {  	s28 =	simm.s32 $_size_execute0_lowered;
	s4 =	sadd.s32 s4, s6;
	[dreg:$0x0] =	wrdreg $0x0  }
0xa9: {  	s6 =	sshll.u32 s28, $0x1;
	[dreg:$0x2] =	wrdreg s4  }
0xaa: {  	[dreg:$0x3] =	wrdreg s6  }
0xab: {  	[dreg:$0x4] =	wrdreg $0xC0  }
0xac: {  	_ =	task [dreg:s8], $0x5FFFF  }
0xad: {  	[dreg:$0x1] =	wrdreg $0xFFFFFFFF  }
0xae: {  	[dreg:$0x0] =	wrdreg $0x60  }
0xaf: {  	[dreg:$0x2] =	wrdreg s24  }
0xb0: {  	[dreg:$0x3] =	wrdreg s2  }
0xb1: {  	[dreg:$0x4] =	wrdreg s18  }
0xb2: {  	[dreg:$0x5] =	wrdreg $0x9  }
0xb3: {  	_ =	task.clear_ibuf [dreg:s8], $0x6FFFF;
	_ =	strace $0x90000046  }
0xb4: {  	s29 =	simm.s32 $0x9;
	_ =	strace $0x80000048  }
0xb5: {  	_ =	swait.ge [sflag:s29], $0x1  }
0xb6: {  	[sflag:s29] =	ssyncadd.s32 $0xFFFFFFFF  }
0xb7: {  	_ =	strace $0x90000048  }
0xb8: {  	_ =	sfence  }
0xb9: {  	s30 =	sld [smem:$0x0];
	_ =	sdelay $0x2  }
0xba: {  	s31 =	sshll.u32 s1, $0xD;
	s1 =	sshrl.u32 s1, $0x2  }
0xbb: {  	s3 =	sand.u32 $0x4000, s31;
	s1 =	sadd.s32 s1, s30  }
0xbc: {  	s0 =	sor.u32 s3, s0;
	s1 =	sshll.u32 s1, $0x11  }
0xbd: {  	s0 =	sor.u32 s1, s0  }
0xbe: {  	s0 =	sadd.s32 $0x8F2B, s0  }
0xbf: {  	[sflag:s0] =	ssyncadd.remote.s32 $0x1  }
0xc0: {  	_ =	sfence.sel $0xFFFF  }
0xc1: {  	[dreg:$0x0] =	wrdreg $0xFFFFFFFF;
	(pc) =	sbr.abs _section_cstart, $3  }
0xc2: {  	[dreg:$0x1] =	wrdreg $0xFFFFFFFF  }
0xc3: {  	_ =	task.clear_ibuf [dreg:s8], $0x2FFFF;
	_ =	strace $0x9FFFFFFF  }
0xc4: {  	(tm) =	ssettm $0x7FFFFFFF  }
0xc5: {  	_ =	shalt  }
tec
execute0_lowered:
.L_overlay_start_1:
0x0: {  	(tag) =	ssettag $0x1  }
0x1: {  	s0 =	rddreg [dreg:$0x0]  }
0x2: {  	s19 =	rddreg [dreg:$0x1];
	s1 =	srdreg.scid  }
0x3: {  	s2 =	stileid.u32;
	s4 =	rddreg [dreg:$0x2]  }
0x4: {  	s24 =	simm.s32 $0x0;
	s30 =	simm.s32 $0x200;
	s31 =	simm.s32 $0x400  }
0x5: {  	s1 =	sand.u32 $0x1, s1;
	s3 =	sshll.u32 s2, $0x1;
	[smem:$0x7FF] =	sst s24  }
0x6: {  	s26 =	sadd.s32 $0x200, s19;
	s7 =	sadd.s32 $0x400, s19;
	s8 =	sadd.s32 $0x600, s19  }
0x7: {  	s6 =	sadd.s32 $0x800, s19;
	s9 =	sadd.s32 $0xA00, s19;
	s10 =	sadd.s32 $0xC00, s19  }
0x8: {  	s11 =	sadd.s32 $0xE00, s19;
	s12 =	sadd.s32 $0x1000, s19;
	s13 =	sadd.s32 $0x1200, s19  }
0x9: {  	s14 =	sadd.s32 $0x1400, s19;
	s15 =	sadd.s32 $0x1600, s19;
	s17 =	sadd.s32 $0x1A00, s19  }
0xa: {  	s18 =	sadd.s32 $0x1C00, s19;
	s16 =	sor.u32 s1, s3;
	s1 =	ssub.s32 $0x2, s1  }
0xb: {  	_ =	strace $0x80000047;
	[dreg:$0x7] =	wrdreg s26;
	s5 =	sshll.u32 s16, $0xA  }
0xc: {  	[dreg:$0x5] =	wrdreg s30;
	s25 =	sshrl.u32 s1, $0x1;
	s0 =	sadd.s32 s5, s0  }
0xd: {  	[dreg:$0x6] =	wrdreg s31;
	s1 =	ssub.s32 s1, s25;
	s0 =	sadd.s32 $0x400, s0  }
0xe: {  	v0 =	vlaneseq.u32;
	s28 =	sshll.u32 s16, $0x12;
	s29 =	smax.u32 s1, $0x1;
	[dreg:$0x8] =	wrdreg s0  }
0xf: {  	v1 =	vshrl.u32 v0, $0x2;
	s2 =	simm.s32 $0x0;
	s0 =	sadd.s32 s4, s28;
	[dreg:$0x9] =	wrdreg s29  }
0x10: {  	vm0 =	vmmov $0xffff;
	v0 =	vand.u32 $0x3, v0;
	v1 =	vmul.u32 $0x8, v1;
	s16 =	sadd.s32 $0x1800, s19;
	s19 =	sadd.s32 $0x1E00, s19;
	[dreg:$0x4] =	wrdreg s0  }
.LBB2_1:
0x11: {  	[dreg:$0xa] =	wrdreg s2  }
0x12: {  	s3 =	simm.s32 $0x0;
	s0 =	rddreg [dreg:$0x8];
	s20 =	simm.s32 $0x7  }
0x13: {  	[tilespmem:s3], [sflag:$0x7] =	stream.linear.gather [hbm4b:s0+s3], $0x2000, $0x38;
	[tilespmem:$0x1A000] =	vst v63  }
0x14: {  	_ =	swait.ge [sflag:s20], $0x2000  }
0x15: {  	[sflag:s20] =	ssyncset.done $0x0  }
0x16: {  	[sflag:s20] =	ssyncadd.s32 $0xFFFFE000  }
0x17: {  	v2 =	vld.msk [tilespmem:$0x0], $0xf;
	_ =	sdelay $0x4  }
0x18: {  	v3 =	vshll.u32 v2, $0x6  }
0x19: {  	v2 =	vand.u32 $0x7, v2;
	v3 =	vand.u32 $0xFFFFFE00, v3  }
0x1a: {  	v2 =	vor.u32 v2, v3  }
0x1b: {  	v2 =	vperm.xlane v2, v0;
	_ =	sdelay $0x1  }
0x1c: {  	v2 =	vadd.s32 v1, v2;
	_ =	sdelay $0x3  }
0x1d: {  	s21 =	simm.s32 $0x2000;
	s2 =	rddreg [dreg:$0x1]  }
0x1e: {  	[tilespmem:s21], [sflag:$0x1] =	stream.indirect_vreg.gather [hbm4b:s2+s3], $0x80, v2, vm0, $0xb8;
	[tilespmem:$0x1A000] =	vst v63  }
0x1f: {  	s22 =	simm.s32 $0x2800;
	s5 =	rddreg [dreg:$0x7]  }
0x20: {  	[tilespmem:s22], [sflag:$0x1] =	stream.indirect_vreg.gather [hbm4b:s5+s3], $0x80, v2, vm0, $0xb8;
	[tilespmem:$0x1A000] =	vst v63  }
0x21: {  	s23 =	simm.s32 $0x3000  }
0x22: {  	[tilespmem:s23], [sflag:$0x1] =	stream.indirect_vreg.gather [hbm4b:s7+s3], $0x80, v2, vm0, $0xb8;
	[tilespmem:$0x1A000] =	vst v63  }
0x23: {  	s24 =	simm.s32 $0x3800  }
0x24: {  	[tilespmem:s24], [sflag:$0x1] =	stream.indirect_vreg.gather [hbm4b:s8+s3], $0x80, v2, vm0, $0xb8;
	[tilespmem:$0x1A000] =	vst v63  }
0x25: {  	s25 =	simm.s32 $0x4000  }
0x26: {  	[tilespmem:s25], [sflag:$0x1] =	stream.indirect_vreg.gather [hbm4b:s6+s3], $0x80, v2, vm0, $0xb8;
	[tilespmem:$0x1A000] =	vst v63  }
0x27: {  	s26 =	simm.s32 $0x4800  }
0x28: {  	[tilespmem:s26], [sflag:$0x1] =	stream.indirect_vreg.gather [hbm4b:s9+s3], $0x80, v2, vm0, $0xb8;
	[tilespmem:$0x1A000] =	vst v63  }
0x29: {  	s1 =	simm.s32 $0x5000  }
0x2a: {  	[tilespmem:s1], [sflag:$0x1] =	stream.indirect_vreg.gather [hbm4b:s10+s3], $0x80, v2, vm0, $0xb8;
	[tilespmem:$0x1A000] =	vst v63  }
0x2b: {  	s4 =	simm.s32 $0x5800  }
0x2c: {  	[tilespmem:s4], [sflag:$0x1] =	stream.indirect_vreg.gather [hbm4b:s11+s3], $0x80, v2, vm0, $0xb8;
	[tilespmem:$0x1A000] =	vst v63  }
0x2d: {  	s20 =	simm.s32 $0x6000  }
0x2e: {  	[tilespmem:s20], [sflag:$0x1] =	stream.indirect_vreg.gather [hbm4b:s12+s3], $0x80, v2, vm0, $0xb8;
	[tilespmem:$0x1A000] =	vst v63  }
0x2f: {  	s21 =	simm.s32 $0x6800  }
0x30: {  	[tilespmem:s21], [sflag:$0x1] =	stream.indirect_vreg.gather [hbm4b:s13+s3], $0x80, v2, vm0, $0xb8;
	[tilespmem:$0x1A000] =	vst v63  }
0x31: {  	s22 =	simm.s32 $0x7000  }
0x32: {  	[tilespmem:s22], [sflag:$0x1] =	stream.indirect_vreg.gather [hbm4b:s14+s3], $0x80, v2, vm0, $0xb8;
	[tilespmem:$0x1A000] =	vst v63  }
0x33: {  	s23 =	simm.s32 $0x7800  }
0x34: {  	[tilespmem:s23], [sflag:$0x1] =	stream.indirect_vreg.gather [hbm4b:s15+s3], $0x80, v2, vm0, $0xb8;
	[tilespmem:$0x1A000] =	vst v63  }
0x35: {  	s24 =	simm.s32 $0x8000  }
0x36: {  	[tilespmem:s24], [sflag:$0x1] =	stream.indirect_vreg.gather [hbm4b:s16+s3], $0x80, v2, vm0, $0xb8;
	[tilespmem:$0x1A000] =	vst v63  }
0x37: {  	s25 =	simm.s32 $0x8800  }
0x38: {  	[tilespmem:s25], [sflag:$0x1] =	stream.indirect_vreg.gather [hbm4b:s17+s3], $0x80, v2, vm0, $0xb8;
	[tilespmem:$0x1A000] =	vst v63  }
0x39: {  	s26 =	simm.s32 $0x9000  }
0x3a: {  	[tilespmem:s26], [sflag:$0x1] =	stream.indirect_vreg.gather [hbm4b:s18+s3], $0x80, v2, vm0, $0xb8;
	[tilespmem:$0x1A000] =	vst v63  }
0x3b: {  	s1 =	simm.s32 $0x9800  }
0x3c: {  	[tilespmem:s1], [sflag:$0x1] =	stream.indirect_vreg.gather [hbm4b:s19+s3], $0x80, v2, vm0, $0xb8;
	[tilespmem:$0x1A000] =	vst v63  }
0x3d: {  	v2 =	vld.msk [tilespmem:$0x80], $0xf;
	_ =	sdelay $0x4  }
0x3e: {  	v3 =	vshll.u32 v2, $0x6  }
0x3f: {  	v2 =	vand.u32 $0x7, v2;
	v3 =	vand.u32 $0xFFFFFE00, v3  }
0x40: {  	v2 =	vor.u32 v2, v3  }
0x41: {  	v2 =	vperm.xlane v2, v0;
	_ =	sdelay $0x1  }
0x42: {  	v2 =	vadd.s32 v1, v2;
	_ =	sdelay $0x3  }
0x43: {  	s4 =	simm.s32 $0xA000  }
0x44: {  	[tilespmem:s4], [sflag:$0x2] =	stream.indirect_vreg.gather [hbm4b:s2+s3], $0x80, v2, vm0, $0xb8;
	[tilespmem:$0x1A000] =	vst v63  }
0x45: {  	s20 =	simm.s32 $0xA800  }
0x46: {  	[tilespmem:s20], [sflag:$0x2] =	stream.indirect_vreg.gather [hbm4b:s5+s3], $0x80, v2, vm0, $0xb8;
	[tilespmem:$0x1A000] =	vst v63  }
0x47: {  	s21 =	simm.s32 $0xB000  }
0x48: {  	[tilespmem:s21], [sflag:$0x2] =	stream.indirect_vreg.gather [hbm4b:s7+s3], $0x80, v2, vm0, $0xb8;
	[tilespmem:$0x1A000] =	vst v63  }
0x49: {  	s22 =	simm.s32 $0xB800  }
0x4a: {  	[tilespmem:s22], [sflag:$0x2] =	stream.indirect_vreg.gather [hbm4b:s8+s3], $0x80, v2, vm0, $0xb8;
	[tilespmem:$0x1A000] =	vst v63  }
0x4b: {  	s23 =	simm.s32 $0xC000  }
0x4c: {  	[tilespmem:s23], [sflag:$0x2] =	stream.indirect_vreg.gather [hbm4b:s6+s3], $0x80, v2, vm0, $0xb8;
	[tilespmem:$0x1A000] =	vst v63  }
0x4d: {  	s24 =	simm.s32 $0xC800  }
0x4e: {  	[tilespmem:s24], [sflag:$0x2] =	stream.indirect_vreg.gather [hbm4b:s9+s3], $0x80, v2, vm0, $0xb8;
	[tilespmem:$0x1A000] =	vst v63  }
0x4f: {  	s25 =	simm.s32 $0xD000  }
0x50: {  	[tilespmem:s25], [sflag:$0x2] =	stream.indirect_vreg.gather [hbm4b:s10+s3], $0x80, v2, vm0, $0xb8;
	[tilespmem:$0x1A000] =	vst v63  }
0x51: {  	s26 =	simm.s32 $0xD800  }
0x52: {  	[tilespmem:s26], [sflag:$0x2] =	stream.indirect_vreg.gather [hbm4b:s11+s3], $0x80, v2, vm0, $0xb8;
	[tilespmem:$0x1A000] =	vst v63  }
0x53: {  	s1 =	simm.s32 $0xE000  }
0x54: {  	[tilespmem:s1], [sflag:$0x2] =	stream.indirect_vreg.gather [hbm4b:s12+s3], $0x80, v2, vm0, $0xb8;
	[tilespmem:$0x1A000] =	vst v63  }
0x55: {  	s4 =	simm.s32 $0xE800  }
0x56: {  	[tilespmem:s4], [sflag:$0x2] =	stream.indirect_vreg.gather [hbm4b:s13+s3], $0x80, v2, vm0, $0xb8;
	[tilespmem:$0x1A000] =	vst v63  }
0x57: {  	s20 =	simm.s32 $0xF000  }
0x58: {  	[tilespmem:s20], [sflag:$0x2] =	stream.indirect_vreg.gather [hbm4b:s14+s3], $0x80, v2, vm0, $0xb8;
	[tilespmem:$0x1A000] =	vst v63  }
0x59: {  	s21 =	simm.s32 $0xF800  }
0x5a: {  	[tilespmem:s21], [sflag:$0x2] =	stream.indirect_vreg.gather [hbm4b:s15+s3], $0x80, v2, vm0, $0xb8;
	[tilespmem:$0x1A000] =	vst v63  }
0x5b: {  	s22 =	simm.s32 $0x10000  }
0x5c: {  	[tilespmem:s22], [sflag:$0x2] =	stream.indirect_vreg.gather [hbm4b:s16+s3], $0x80, v2, vm0, $0xb8;
	[tilespmem:$0x1A000] =	vst v63  }
0x5d: {  	s23 =	simm.s32 $0x10800;
	s25 =	simm.s32 $0x2  }
0x5e: {  	[tilespmem:s23], [sflag:$0x2] =	stream.indirect_vreg.gather [hbm4b:s17+s3], $0x80, v2, vm0, $0xb8;
	[tilespmem:$0x1A000] =	vst v63  }
0x5f: {  	s24 =	simm.s32 $0x11000;
	s0 =	smul.u32 $0xAB, s25  }
0x60: {  	[tilespmem:s24], [sflag:$0x2] =	stream.indirect_vreg.gather [hbm4b:s18+s3], $0x80, v2, vm0, $0xb8;
	[tilespmem:$0x1A000] =	vst v63  }
0x61: {  	s26 =	sshrl.u32 s0, $0x9;
	s1 =	simm.s32 $0x11800  }
0x62: {  	[tilespmem:s1], [sflag:$0x2] =	stream.indirect_vreg.gather [hbm4b:s19+s3], $0x80, v2, vm0, $0xb8;
	[tilespmem:$0x1A000] =	vst v63  }
0x63: {  	s1 =	sand.u32 $0x7F, s26  }
0x64: {  	s1 =	smul.u32 $0x3, s1  }
0x65: {  	p0 =	por $0x0, $0x0  }
0x66: {  	p1 =	por @!p0 $0x1, $0x1;
	s1 =	ssub.s32 $0x2, s1  }
0x67: {  	p1 =	por p1, p0;
	s1 =	sand.u32 $0xFF, s1  }
0x68: {  	s4 =	sadd.s32 @!p1 $0x4, s1  }
0x69: {  	_ =	swait.ge @!p1 [sflag:s4], $0x8000  }
0x6a: {  	[sflag:s4] =	ssyncset.done @!p1 $0x0  }
0x6b: {  	s20 =	simm.s32 $0x100;
	[sflag:s4] =	ssyncadd.s32 @!p1 $0xFFFF8000  }
0x6c: {  	v2 =	vld.msk @!p0 [tilespmem:s20+$0x0], $0xf;
	_ =	sdelay $0x4  }
0x6d: {  	v3 =	vshll.u32 @!p0 v2, $0x6  }
0x6e: {  	v4 =	vlaneseq.u32 @!p0;
	v2 =	vand.u32 @!p0 $0x7, v2;
	v3 =	vand.u32 @!p0 $0xFFFFFE00, v3  }
0x6f: {  	v5 =	vand.u32 @!p0 $0x3, v4;
	v4 =	vshrl.u32 @!p0 v4, $0x2;
	v2 =	vor.u32 @!p0 v2, v3  }
0x70: {  	v3 =	vmul.u32 @!p0 $0x8, v4;
	v2 =	vperm.xlane @!p0 v2, v5;
	_ =	sdelay $0x1  }
0x71: {  	v2 =	vadd.s32 @!p0 v3, v2;
	_ =	sdelay $0x2  }
0x72: {  	s20 =	sshll.u32 @!p0 s1, $0xF  }
0x73: {  	vm1 =	vmmov @!p0 $0xffff;
	s22 =	simm.s32 @!p0 $0x0;
	s21 =	sadd.s32 @!p0 $0x1, s1;
	s4 =	sor.u32 @!p0 $0x2000, s20  }
0x74: {  	[tilespmem:s4], [sflag:s21] =	stream.indirect_vreg.gather @!p0 [hbm4b:s2+s22], $0x80, v2, vm1, $0xb8;
	[tilespmem:$0x1A000] =	vst v63  }
0x75: {  	s1 =	sor.u32 @!p0 $0x2800, s20  }
0x76: {  	[tilespmem:s1], [sflag:s21] =	stream.indirect_vreg.gather @!p0 [hbm4b:s5+s22], $0x80, v2, vm1, $0xb8;
	[tilespmem:$0x1A000] =	vst v63  }
0x77: {  	s1 =	sor.u32 @!p0 $0x3000, s20  }
0x78: {  	[tilespmem:s1], [sflag:s21] =	stream.indirect_vreg.gather @!p0 [hbm4b:s7+s22], $0x80, v2, vm1, $0xb8;
	[tilespmem:$0x1A000] =	vst v63  }
0x79: {  	s1 =	sor.u32 @!p0 $0x3800, s20  }
0x7a: {  	[tilespmem:s1], [sflag:s21] =	stream.indirect_vreg.gather @!p0 [hbm4b:s8+s22], $0x80, v2, vm1, $0xb8;
	[tilespmem:$0x1A000] =	vst v63  }
0x7b: {  	s1 =	sor.u32 @!p0 $0x4000, s20  }
0x7c: {  	[tilespmem:s1], [sflag:s21] =	stream.indirect_vreg.gather @!p0 [hbm4b:s6+s22], $0x80, v2, vm1, $0xb8;
	[tilespmem:$0x1A000] =	vst v63  }
0x7d: {  	s1 =	sor.u32 @!p0 $0x4800, s20  }
0x7e: {  	[tilespmem:s1], [sflag:s21] =	stream.indirect_vreg.gather @!p0 [hbm4b:s9+s22], $0x80, v2, vm1, $0xb8;
	[tilespmem:$0x1A000] =	vst v63  }
0x7f: {  	s1 =	sor.u32 @!p0 $0x5000, s20  }
0x80: {  	[tilespmem:s1], [sflag:s21] =	stream.indirect_vreg.gather @!p0 [hbm4b:s10+s22], $0x80, v2, vm1, $0xb8;
	[tilespmem:$0x1A000] =	vst v63  }
0x81: {  	s0 =	sadd.s32 $0xFFFFFEAA, s0;
	s1 =	sor.u32 @!p0 $0x5800, s20  }
0x82: {  	[tilespmem:s1], [sflag:s21] =	stream.indirect_vreg.gather @!p0 [hbm4b:s11+s22], $0x80, v2, vm1, $0xb8;
	[tilespmem:$0x1A000] =	vst v63  }
0x83: {  	s0 =	sshrl.u32 s0, $0x9;
	s1 =	sor.u32 @!p0 $0x6000, s20  }
0x84: {  	[tilespmem:s1], [sflag:s21] =	stream.indirect_vreg.gather @!p0 [hbm4b:s12+s22], $0x80, v2, vm1, $0xb8;
	[tilespmem:$0x1A000] =	vst v63  }
0x85: {  	s29 =	simm.s32 $0x4;
	s0 =	sand.u32 $0x7F, s0;
	s1 =	sor.u32 @!p0 $0x6800, s20  }
0x86: {  	[tilespmem:s1], [sflag:s21] =	stream.indirect_vreg.gather @!p0 [hbm4b:s13+s22], $0x80, v2, vm1, $0xb8;
	[tilespmem:$0x1A000] =	vst v63  }
0x87: {  	s28 =	simm.s32 $0x180;
	s0 =	smul.u32 $0x3, s0;
	s4 =	sor.u32 @!p0 $0x7000, s20  }
0x88: {  	[tilespmem:s4], [sflag:s21] =	stream.indirect_vreg.gather @!p0 [hbm4b:s14+s22], $0x80, v2, vm1, $0xb8;
	[tilespmem:$0x1A000] =	vst v63  }
0x89: {  	s31 =	simm.s32 $0x1;
	s0 =	ssub.s32 $0x0, s0;
	s4 =	sor.u32 @!p0 $0x7800, s20  }
0x8a: {  	[tilespmem:s4], [sflag:s21] =	stream.indirect_vreg.gather @!p0 [hbm4b:s15+s22], $0x80, v2, vm1, $0xb8;
	[tilespmem:$0x1A000] =	vst v63  }
0x8b: {  	s25 =	simm.s32 $0x40;
	s0 =	sand.u32 $0xFF, s0;
	s4 =	sadd.s32 @!p0 $0x8000, s20  }
0x8c: {  	[tilespmem:s4], [sflag:s21] =	stream.indirect_vreg.gather @!p0 [hbm4b:s16+s22], $0x80, v2, vm1, $0xb8;
	[tilespmem:$0x1A000] =	vst v63  }
0x8d: {  	s30 =	sshll.u32 s0, $0xF;
	s24 =	sand.u32 $0x3E000, s3;
	s4 =	sadd.s32 @!p0 $0x8800, s20  }
0x8e: {  	[tilespmem:s4], [sflag:s21] =	stream.indirect_vreg.gather @!p0 [hbm4b:s17+s22], $0x80, v2, vm1, $0xb8;
	[tilespmem:$0x1A000] =	vst v63  }
0x8f: {  	s26 =	simm.s32 $0x1000;
	s23 =	sadd.s32 @!p0 $0x9000, s20;
	s2 =	simm.s32 $0x3  }
0x90: {  	[tilespmem:s23], [sflag:s21] =	stream.indirect_vreg.gather @!p0 [hbm4b:s18+s22], $0x80, v2, vm1, $0xb8;
	[tilespmem:$0x1A000] =	vst v63  }
0x91: {  	s5 =	sadd.s32 $0x1, s0;
	s1 =	smul.u32 $0xAB, s2;
	s20 =	sadd.s32 @!p0 $0x9800, s20  }
0x92: {  	[tilespmem:s20], [sflag:s21] =	stream.indirect_vreg.gather @!p0 [hbm4b:s19+s22], $0x80, v2, vm1, $0xb8;
	[tilespmem:$0x1A000] =	vst v63  }
0x93: {  	s4 =	sand.u32 $0x40, s3;
	s23 =	sadd.s32 $0x4, s0;
	s22 =	sshrl.u32 s1, $0x9  }
0x94: {  	s20 =	sor.u32 $0x2000, s30;
	_ =	swait.ge [sflag:s5], $0x8000;
	s0 =	sand.u32 $0x7F, s22  }
0x95: {  	p0 =	por $0x0, $0x0;
	s21 =	rddreg [dreg:$0x4];
	s2 =	smul.u32 $0x3, s0  }
0x96: {  	p1 =	por @!p0 $0x0, $0x0;
	[sflag:s5] =	ssyncset.done $0x0;
	s0 =	rddreg [dreg:$0x5]  }
0x97: {  	v3 =	vlaneseq.u32 @!p0;
	s22 =	rddreg [dreg:$0x6];
	[sflag:s5] =	ssyncadd.s32 $0xFFFF8000;
	s5 =	ssub.s32 $0x3, s2  }
0x98: {  	p2 =	por p1, p0;
	v2 =	vand.u32 @!p0 $0x3, v3;
	v3 =	vshrl.u32 @!p0 v3, $0x2;
	s30 =	sadd.s32 s24, s21;
	s21 =	sand.u32 $0xFF, s5  }
.LBB2_2:
0x99: {  	s24 =	sadd.s32 @!p2 $0x4, s21;
	s2 =	sadd.s32 s4, s30  }
0x9a: {  	[hbm4b:s2+s0] =	stream.strided.scatter [tilespmem:s20], [sflag:s23], $0x8000, s22, s0, $0x38;
	[tilespmem:$0x1A000] =	vst v63  }
0x9b: {  	_ =	swait.ge @!p2 [sflag:s24], $0x8000  }
0x9c: {  	[sflag:s24] =	ssyncset.done @!p2 $0x0  }
0x9d: {  	[sflag:s24] =	ssyncadd.s32 @!p2 $0xFFFF8000  }
0x9e: {  	v4 =	vld.msk @!p0 [tilespmem:s28+$0x0], $0xf;
	_ =	sdelay $0x4  }
0x9f: {  	v5 =	vshll.u32 @!p0 v4, $0x6  }
0xa0: {  	v4 =	vand.u32 @!p0 $0x7, v4;
	v5 =	vand.u32 @!p0 $0xFFFFFE00, v5  }
0xa1: {  	s3 =	sadd.s32 $0xFFFFFEAA, s1;
	v4 =	vor.u32 @!p0 v4, v5  }
0xa2: {  	v3 =	vmul.u32 @!p0 $0x8, v3;
	s23 =	sshrl.u32 s3, $0x9;
	v2 =	vperm.xlane @!p0 v4, v2  }
0xa3: {  	s0 =	sand.u32 $0x7F, s23  }
0xa4: {  	s0 =	smul.u32 $0x3, s0;
	v2 =	vadd.s32 @!p0 v3, v2;
	_ =	sdelay $0x1  }
0xa5: {  	s0 =	ssub.s32 s31, s0  }
0xa6: {  	s22 =	simm.s32 @!p0 $0x0;
	s31 =	sand.u32 $0xFF, s0;
	s0 =	sshll.u32 @!p0 s21, $0xF  }
0xa7: {  	vm1 =	vmmov @!p0 $0xffff;
	s3 =	rddreg [dreg:$0x1];
	s21 =	sadd.s32 @!p0 $0x1, s21;
	s2 =	sor.u32 @!p0 $0x2000, s0  }
0xa8: {  	[tilespmem:s2], [sflag:s21] =	stream.indirect_vreg.gather @!p0 [hbm4b:s3+s22], $0x80, v2, vm1, $0xb8;
	[tilespmem:$0x1A000] =	vst v63  }
0xa9: {  	s2 =	sor.u32 @!p0 $0x2800, s0;
	s3 =	rddreg [dreg:$0x7]  }
0xaa: {  	[tilespmem:s2], [sflag:s21] =	stream.indirect_vreg.gather @!p0 [hbm4b:s3+s22], $0x80, v2, vm1, $0xb8;
	[tilespmem:$0x1A000] =	vst v63  }
0xab: {  	s2 =	sor.u32 @!p0 $0x3000, s0  }
0xac: {  	[tilespmem:s2], [sflag:s21] =	stream.indirect_vreg.gather @!p0 [hbm4b:s7+s22], $0x80, v2, vm1, $0xb8;
	[tilespmem:$0x1A000] =	vst v63  }
0xad: {  	s2 =	sor.u32 @!p0 $0x3800, s0  }
0xae: {  	[tilespmem:s2], [sflag:s21] =	stream.indirect_vreg.gather @!p0 [hbm4b:s8+s22], $0x80, v2, vm1, $0xb8;
	[tilespmem:$0x1A000] =	vst v63  }
0xaf: {  	s2 =	sor.u32 @!p0 $0x4000, s0  }
0xb0: {  	[tilespmem:s2], [sflag:s21] =	stream.indirect_vreg.gather @!p0 [hbm4b:s6+s22], $0x80, v2, vm1, $0xb8;
	[tilespmem:$0x1A000] =	vst v63  }
0xb1: {  	s2 =	sor.u32 @!p0 $0x4800, s0  }
0xb2: {  	[tilespmem:s2], [sflag:s21] =	stream.indirect_vreg.gather @!p0 [hbm4b:s9+s22], $0x80, v2, vm1, $0xb8;
	[tilespmem:$0x1A000] =	vst v63  }
0xb3: {  	s2 =	sor.u32 @!p0 $0x5000, s0  }
0xb4: {  	[tilespmem:s2], [sflag:s21] =	stream.indirect_vreg.gather @!p0 [hbm4b:s10+s22], $0x80, v2, vm1, $0xb8;
	[tilespmem:$0x1A000] =	vst v63  }
0xb5: {  	s30 =	smov.u32 s29;
	s2 =	sor.u32 @!p0 $0x5800, s0  }
0xb6: {  	[tilespmem:s2], [sflag:s21] =	stream.indirect_vreg.gather @!p0 [hbm4b:s11+s22], $0x80, v2, vm1, $0xb8;
	[tilespmem:$0x1A000] =	vst v63  }
0xb7: {  	s4 =	smov.u32 s26;
	s5 =	smov.u32 s25;
	s2 =	sor.u32 @!p0 $0x6000, s0  }
0xb8: {  	[tilespmem:s2], [sflag:s21] =	stream.indirect_vreg.gather @!p0 [hbm4b:s12+s22], $0x80, v2, vm1, $0xb8;
	[tilespmem:$0x1A000] =	vst v63  }
0xb9: {  	s29 =	sadd.s32 $0x1, s29;
	s26 =	sadd.s32 $0x1000, s26;
	s2 =	sor.u32 @!p0 $0x6800, s0  }
0xba: {  	[tilespmem:s2], [sflag:s21] =	stream.indirect_vreg.gather @!p0 [hbm4b:s13+s22], $0x80, v2, vm1, $0xb8;
	[tilespmem:$0x1A000] =	vst v63  }
0xbb: {  	s25 =	sadd.s32 $0x40, s25;
	p1 =	sne.s32 s29, $0x42;
	s2 =	sor.u32 @!p0 $0x7000, s0  }
0xbc: {  	[tilespmem:s2], [sflag:s21] =	stream.indirect_vreg.gather @!p0 [hbm4b:s14+s22], $0x80, v2, vm1, $0xb8;
	[tilespmem:$0x1A000] =	vst v63  }
0xbd: {  	s28 =	sadd.s32 $0x80, s28;
	s24 =	sshll.u32 s31, $0xF;
	s2 =	sor.u32 @!p0 $0x7800, s0  }
0xbe: {  	[tilespmem:s2], [sflag:s21] =	stream.indirect_vreg.gather @!p0 [hbm4b:s15+s22], $0x80, v2, vm1, $0xb8;
	[tilespmem:$0x1A000] =	vst v63  }
0xbf: {  	s1 =	sadd.s32 @!p0 $0x8800, s0;
	s23 =	sadd.s32 $0x4, s31;
	s2 =	sadd.s32 @!p0 $0x8000, s0  }
0xc0: {  	[tilespmem:s2], [sflag:s21] =	stream.indirect_vreg.gather @!p0 [hbm4b:s16+s22], $0x80, v2, vm1, $0xb8;
	[tilespmem:$0x1A000] =	vst v63  }
0xc1: {  	s20 =	sor.u32 $0x2000, s24;
	s24 =	sadd.s32 $0x1, s31;
	s31 =	sadd.s32 $0xFFFFFFFE, s30  }
0xc2: {  	[tilespmem:s1], [sflag:s21] =	stream.indirect_vreg.gather @!p0 [hbm4b:s17+s22], $0x80, v2, vm1, $0xb8;
	[tilespmem:$0x1A000] =	vst v63  }
0xc3: {  	s3 =	sand.u32 $0x3E000, s4;
	s2 =	sadd.s32 @!p0 $0x9000, s0;
	s1 =	smul.u32 $0xAB, s30  }
0xc4: {  	[tilespmem:s2], [sflag:s21] =	stream.indirect_vreg.gather @!p0 [hbm4b:s18+s22], $0x80, v2, vm1, $0xb8;
	[tilespmem:$0x1A000] =	vst v63  }
0xc5: {  	s4 =	sand.u32 $0x40, s5;
	s0 =	sadd.s32 @!p0 $0x9800, s0;
	s5 =	sshrl.u32 s1, $0x9  }
0xc6: {  	[tilespmem:s0], [sflag:s21] =	stream.indirect_vreg.gather @!p0 [hbm4b:s19+s22], $0x80, v2, vm1, $0xb8;
	[tilespmem:$0x1A000] =	vst v63  }
.Ltmp0:
0xc7: {  	s22 =	sand.u32 $0x7F, s5;
	_ =	swait.ge [sflag:s24], $0x8000;
	(pc) =	sbr.rel @p1 .LBB2_2-.Ltmp0, $4  }
0xc8: {  	p0 =	sgt.u32 s31, $0x3D;
	s2 =	smul.u32 $0x3, s22;
	s5 =	rddreg [dreg:$0x4]  }
0xc9: {  	p2 =	seq.s32 @!p0 s30, $0x2;
	[sflag:s24] =	ssyncset.done $0x0;
	s0 =	rddreg [dreg:$0x5]  }
0xca: {  	v3 =	vlaneseq.u32 @!p0;
	s22 =	rddreg [dreg:$0x6];
	p2 =	por p2, p0;
	s2 =	ssub.s32 s30, s2  }
0xcb: {  	v2 =	vand.u32 @!p0 $0x3, v3;
	v3 =	vshrl.u32 @!p0 v3, $0x2;
	[sflag:s24] =	ssyncadd.s32 $0xFFFF8000;
	s30 =	sadd.s32 s3, s5;
	s21 =	sand.u32 $0xFF, s2  }
0xcc: {  	s2 =	sadd.s32 s4, s30  }
0xcd: {  	[hbm4b:s2+s0] =	stream.strided.scatter [tilespmem:s20], [sflag:s23], $0x8000, s22, s0, $0x38;
	[tilespmem:$0x1A000] =	vst v63  }
0xce: {  	s0 =	sadd.s32 @!p2 $0x4, s21  }
0xcf: {  	_ =	swait.ge @!p2 [sflag:s0], $0x8000  }
0xd0: {  	[sflag:s0] =	ssyncset.done @!p2 $0x0  }
0xd1: {  	[sflag:s0] =	ssyncadd.s32 @!p2 $0xFFFF8000  }
0xd2: {  	v4 =	vld.msk @!p0 [tilespmem:s28+$0x0], $0xf;
	_ =	sdelay $0x4  }
0xd3: {  	v5 =	vshll.u32 @!p0 v4, $0x6  }
0xd4: {  	v4 =	vand.u32 @!p0 $0x7, v4;
	v5 =	vand.u32 @!p0 $0xFFFFFE00, v5  }
0xd5: {  	v4 =	vor.u32 @!p0 v4, v5  }
0xd6: {  	v3 =	vmul.u32 @!p0 $0x8, v3;
	v2 =	vperm.xlane @!p0 v4, v2;
	_ =	sdelay $0x1  }
0xd7: {  	v2 =	vadd.s32 @!p0 v3, v2;
	_ =	sdelay $0x2  }
0xd8: {  	s3 =	sadd.s32 @!p0 $0x1, s21;
	s0 =	sshll.u32 @!p0 s21, $0xF  }
0xd9: {  	vm1 =	vmmov @!p0 $0xffff;
	s4 =	simm.s32 @!p0 $0x0;
	s2 =	sor.u32 @!p0 $0x2000, s0;
	s5 =	rddreg [dreg:$0x1]  }
0xda: {  	[tilespmem:s2], [sflag:s3] =	stream.indirect_vreg.gather @!p0 [hbm4b:s5+s4], $0x80, v2, vm1, $0xb8;
	[tilespmem:$0x1A000] =	vst v63  }
0xdb: {  	s2 =	sor.u32 @!p0 $0x2800, s0;
	s5 =	rddreg [dreg:$0x7]  }
0xdc: {  	[tilespmem:s2], [sflag:s3] =	stream.indirect_vreg.gather @!p0 [hbm4b:s5+s4], $0x80, v2, vm1, $0xb8;
	[tilespmem:$0x1A000] =	vst v63  }
0xdd: {  	s2 =	sor.u32 @!p0 $0x3000, s0  }
0xde: {  	[tilespmem:s2], [sflag:s3] =	stream.indirect_vreg.gather @!p0 [hbm4b:s7+s4], $0x80, v2, vm1, $0xb8;
	[tilespmem:$0x1A000] =	vst v63  }
0xdf: {  	s2 =	sor.u32 @!p0 $0x3800, s0  }
0xe0: {  	[tilespmem:s2], [sflag:s3] =	stream.indirect_vreg.gather @!p0 [hbm4b:s8+s4], $0x80, v2, vm1, $0xb8;
	[tilespmem:$0x1A000] =	vst v63  }
0xe1: {  	s2 =	sor.u32 @!p0 $0x4000, s0  }
0xe2: {  	[tilespmem:s2], [sflag:s3] =	stream.indirect_vreg.gather @!p0 [hbm4b:s6+s4], $0x80, v2, vm1, $0xb8;
	[tilespmem:$0x1A000] =	vst v63  }
0xe3: {  	s2 =	sor.u32 @!p0 $0x4800, s0  }
0xe4: {  	[tilespmem:s2], [sflag:s3] =	stream.indirect_vreg.gather @!p0 [hbm4b:s9+s4], $0x80, v2, vm1, $0xb8;
	[tilespmem:$0x1A000] =	vst v63  }
0xe5: {  	s2 =	sor.u32 @!p0 $0x5000, s0  }
0xe6: {  	[tilespmem:s2], [sflag:s3] =	stream.indirect_vreg.gather @!p0 [hbm4b:s10+s4], $0x80, v2, vm1, $0xb8;
	[tilespmem:$0x1A000] =	vst v63  }
0xe7: {  	s2 =	sor.u32 @!p0 $0x5800, s0  }
0xe8: {  	[tilespmem:s2], [sflag:s3] =	stream.indirect_vreg.gather @!p0 [hbm4b:s11+s4], $0x80, v2, vm1, $0xb8;
	[tilespmem:$0x1A000] =	vst v63  }
0xe9: {  	s2 =	sor.u32 @!p0 $0x6000, s0  }
0xea: {  	[tilespmem:s2], [sflag:s3] =	stream.indirect_vreg.gather @!p0 [hbm4b:s12+s4], $0x80, v2, vm1, $0xb8;
	[tilespmem:$0x1A000] =	vst v63  }
0xeb: {  	s1 =	sadd.s32 $0xFFFFFEAA, s1;
	s2 =	sor.u32 @!p0 $0x6800, s0  }
0xec: {  	[tilespmem:s2], [sflag:s3] =	stream.indirect_vreg.gather @!p0 [hbm4b:s13+s4], $0x80, v2, vm1, $0xb8;
	[tilespmem:$0x1A000] =	vst v63  }
0xed: {  	s1 =	sshrl.u32 s1, $0x9;
	s2 =	sor.u32 @!p0 $0x7000, s0  }
0xee: {  	[tilespmem:s2], [sflag:s3] =	stream.indirect_vreg.gather @!p0 [hbm4b:s14+s4], $0x80, v2, vm1, $0xb8;
	[tilespmem:$0x1A000] =	vst v63  }
0xef: {  	s1 =	sand.u32 $0x7F, s1;
	s2 =	sor.u32 @!p0 $0x7800, s0  }
0xf0: {  	[tilespmem:s2], [sflag:s3] =	stream.indirect_vreg.gather @!p0 [hbm4b:s15+s4], $0x80, v2, vm1, $0xb8;
	[tilespmem:$0x1A000] =	vst v63  }
0xf1: {  	s1 =	smul.u32 $0x3, s1;
	s2 =	sadd.s32 @!p0 $0x8000, s0  }
0xf2: {  	[tilespmem:s2], [sflag:s3] =	stream.indirect_vreg.gather @!p0 [hbm4b:s16+s4], $0x80, v2, vm1, $0xb8;
	[tilespmem:$0x1A000] =	vst v63  }
0xf3: {  	s1 =	ssub.s32 s31, s1;
	s2 =	sadd.s32 @!p0 $0x8800, s0  }
0xf4: {  	[tilespmem:s2], [sflag:s3] =	stream.indirect_vreg.gather @!p0 [hbm4b:s17+s4], $0x80, v2, vm1, $0xb8;
	[tilespmem:$0x1A000] =	vst v63  }
0xf5: {  	s25 =	sand.u32 $0x40, s25;
	s1 =	sand.u32 $0xFF, s1;
	s2 =	sadd.s32 @!p0 $0x9000, s0  }
0xf6: {  	[tilespmem:s2], [sflag:s3] =	stream.indirect_vreg.gather @!p0 [hbm4b:s18+s4], $0x80, v2, vm1, $0xb8;
	[tilespmem:$0x1A000] =	vst v63  }
0xf7: {  	s22 =	sand.u32 $0x3E000, s26;
	s5 =	sadd.s32 $0x1, s1;
	s0 =	sadd.s32 @!p0 $0x9800, s0  }
0xf8: {  	[tilespmem:s0], [sflag:s3] =	stream.indirect_vreg.gather @!p0 [hbm4b:s19+s4], $0x80, v2, vm1, $0xb8;
	[tilespmem:$0x1A000] =	vst v63  }
0xf9: {  	s26 =	simm.s32 $0x5;
	s24 =	sshll.u32 s1, $0xF;
	_ =	swait.ge [sflag:s5], $0x8000  }
0xfa: {  	s1 =	sadd.s32 $0x4, s1;
	s4 =	sor.u32 $0x2000, s24;
	s20 =	rddreg [dreg:$0x4]  }
0xfb: {  	[sflag:s5] =	ssyncset.done $0x0;
	s21 =	rddreg [dreg:$0x5];
	s2 =	sadd.s32 s22, s20  }
0xfc: {  	s23 =	rddreg [dreg:$0x6];
	[sflag:s5] =	ssyncadd.s32 $0xFFFF8000;
	s2 =	sadd.s32 s25, s2  }
0xfd: {  	[hbm4b:s2+s21] =	stream.strided.scatter [tilespmem:s4], [sflag:s1], $0x8000, s23, s21, $0x38;
	[tilespmem:$0x1A000] =	vst v63  }
0xfe: {  	_ =	swait.ge [sflag:s26], $0x8000  }
0xff: {  	[sflag:s26] =	ssyncset.done $0x0  }
0x100: {  	s28 =	simm.s32 $0x6;
	[sflag:s26] =	ssyncadd.s32 $0xFFFF8000  }
0x101: {  	_ =	swait.ge [sflag:s28], $0x8000  }
0x102: {  	[sflag:s28] =	ssyncset.done $0x0  }
0x103: {  	s29 =	simm.s32 $0x4;
	[sflag:s28] =	ssyncadd.s32 $0xFFFF8000  }
0x104: {  	_ =	swait.ge [sflag:s29], $0x8000  }
0x105: {  	s30 =	rddreg [dreg:$0xa]  }
0x106: {  	s31 =	rddreg [dreg:$0x9];
	s2 =	sadd.s32 $0x1, s30  }
0x107: {  	p0 =	sne.s32 s2, s31  }
.Ltmp1:
0x108: {  	_ = 	snop;
	(pc) =	sbr.rel @p0 .LBB2_1-.Ltmp1, $3  }
0x109: {  	_ =	sdelay $0x1  }
0x10a: {  	[sflag:s29] =	ssyncset.done $0x0  }
0x10b: {  	[sflag:s29] =	ssyncadd.s32 $0xFFFF8000  }
0x10c: {  	_ =	sfence.sel $0x180000  }
0x10d: {  	[bflag:$0x0] =	sbarrier.arrive $0xFFFF  }
0x10e: {  	_ =	strace $0x90000047  }
0x10f: {  	s0 =	stileid.u32;
	[bflag:$0x2] =	sbarrier.arrive $0xFFFF  }
0x110: {  	p0 =	sne.s32 s0, $0x0;
	s0 =	rddreg [dreg:$0x3]  }
0x111: {  	s0 =	sadd.s32 @!p0 $0x100000, s0  }
0x112: {  	[sflag:s0] =	ssyncadd.tile.s32 @!p0 $0x1;
	_ =	shalt  }
.Lfunc_end2:
_tile_overlayer_lowered:
.L_overlay_start_2:
0x113: {  	(tag) =	ssettag $0x2  }
0x114: {  	s0 =	rddreg [dreg:$0x0];
	s2 =	stileid.u32  }
0x115: {  	s1 =	rddreg [dreg:$0x1];
	p0 =	sne.s32 s2, $0x0  }
0x116: {  	s3 =	rddreg [dreg:$0x2];
	[bflag:$0x3] =	sbarrier.arrive $0xFFFF;
	s2 =	simm.s32 @!p0 $0x1C07  }
0x117: {  	[timem:s3], [sflag:s2] =	dma.local @!p0 [hbm:s0], s1  }
0x118: {  	s0 =	simm.s32 @!p0 $0x7  }
0x119: {  	_ =	swait.ge @!p0 [sflag:s0], s1  }
0x11a: {  	s1 =	ssub.s32 @!p0 $0x0, s1;
	[sflag:s0] =	ssyncset.done @!p0 $0x0  }
0x11b: {  	[sflag:s0] =	ssyncadd.s32 @!p0 s1  }
0x11c: {  	[bflag:$0x3] =	sbarrier.arrive $0xFFFF  }
0x11d: {  	_ =	shalt  }

</sc_bundles>
